<compile_context>
chip_gen: v7x
topology: tpu7x:2x2x1
jax: 0.10.2.dev20260603
libtpu: 0.0.44.dev20260713+nightly
codegen_flags: <defaults>
</compile_context>

<pallas_src>
import functools

import jax
import jax.numpy as jnp
from jax import lax
from jax.experimental import pallas as pl
from jax.experimental.pallas import tpu as pltpu
from jax.experimental.pallas import tpu_sc as plsc

N = 10000
E = 320000
D = 128

NC = 2
NS = 16

CHUNK = 64
CH_PER_TILE = 160
NPASS = 2
CH_PASS = CH_PER_TILE // NPASS
E_PAD = NC * NS * CH_PER_TILE * CHUNK
N_PAD = 10112
ROWS_PER_TILE = N_PAD // NS


def _sc_segment_sum(inputs, src2d, dst2d, zeros):
  mesh = plsc.VectorSubcoreMesh(core_axis_name="c", subcore_axis_name="s")

  @functools.partial(
      pl.kernel,
      out_type=jax.ShapeDtypeStruct((NC, N_PAD, D), jnp.float32),
      mesh=mesh,
      scratch_types=[
          pltpu.VMEM((2, CH_PASS, CHUNK), jnp.int32),
          pltpu.VMEM((2, CHUNK, D), jnp.float32),
          pltpu.VMEM_SHARED((N_PAD, D), jnp.float32),
          pltpu.SemaphoreType.DMA,
          pltpu.SemaphoreType.DMA,
          pltpu.SemaphoreType.DMA,
          pltpu.SemaphoreType.DMA,
      ],
  )
  def seg_sum(inp_hbm, src_hbm, dst_hbm, zero_hbm, out_hbm,
              idx_v, rows_v, acc, gs0, gs1, ss0, ss1):
    cid = lax.axis_index("c")
    sid = lax.axis_index("s")
    wid = cid * NS + sid

    pltpu.sync_copy(zero_hbm.at[pl.ds(sid * ROWS_PER_TILE, ROWS_PER_TILE)],
                    acc.at[pl.ds(sid * ROWS_PER_TILE, ROWS_PER_TILE)])
    plsc.subcore_barrier()

    rb0, rb1 = rows_v.at[0], rows_v.at[1]

    def wait_gather(rb, gs):
      pltpu.make_async_copy(inp_hbm.at[pl.ds(0, CHUNK)], rb, gs).wait()

    def wait_scatter(rb, ss):
      pltpu.make_async_copy(rb, acc.at[pl.ds(0, CHUNK)], ss).wait()

    npair = CH_PASS // 2

    def one_pass(p, carry):
      pltpu.sync_copy(src_hbm.at[wid, pl.ds(p * CH_PASS, CH_PASS)],
                      idx_v.at[0])
      pltpu.sync_copy(dst_hbm.at[wid, pl.ds(p * CH_PASS, CH_PASS)],
                      idx_v.at[1])
      pltpu.async_copy(inp_hbm.at[idx_v.at[0, 0]], rb0, gs0)
      pltpu.async_copy(inp_hbm.at[idx_v.at[0, 1]], rb1, gs1)

      def body(jj, carry2):
        j = 2 * jj
        wait_gather(rb0, gs0)
        pltpu.async_copy(rb0, acc.at[idx_v.at[1, j]], ss0, add=True)
        wait_gather(rb1, gs1)
        pltpu.async_copy(rb1, acc.at[idx_v.at[1, j + 1]], ss1, add=True)
        wait_scatter(rb0, ss0)

        @pl.when(jj < npair - 1)
        def _():
          pltpu.async_copy(inp_hbm.at[idx_v.at[0, j + 2]], rb0, gs0)

        wait_scatter(rb1, ss1)

        @pl.when(jj < npair - 1)
        def _():
          pltpu.async_copy(inp_hbm.at[idx_v.at[0, j + 3]], rb1, gs1)

        return carry2

      lax.fori_loop(0, npair, body, 0, unroll=False)
      return carry

    lax.fori_loop(0, NPASS, one_pass, 0, unroll=False)
    plsc.subcore_barrier()

    pltpu.sync_copy(acc.at[pl.ds(sid * ROWS_PER_TILE, ROWS_PER_TILE)],
                    out_hbm.at[cid, pl.ds(sid * ROWS_PER_TILE, ROWS_PER_TILE)])

  return seg_sum(inputs, src2d, dst2d, zeros)


BN = 400


def _lstm_block(p_ref, wt_ref, b_ref, o_ref):
  h = p_ref[0] + p_ref[1]
  gates = jnp.dot(h, wt_ref[...], preferred_element_type=jnp.float32)
  gates = gates + b_ref[...]
  i_g = jax.nn.sigmoid(gates[:, 0 * D:1 * D])
  g_g = jnp.tanh(gates[:, 2 * D:3 * D])
  o_g = jax.nn.sigmoid(gates[:, 3 * D:4 * D])
  c_new = i_g * g_g
  o_ref[...] = jnp.maximum(o_g * jnp.tanh(c_new), 0.0)


def _tc_lstm(partials, wt, bsum):
  return pl.pallas_call(
      _lstm_block,
      grid=(N // BN,),
      in_specs=[
          pl.BlockSpec((2, BN, D), lambda i: (0, i, 0)),
          pl.BlockSpec((D, 4 * D), lambda i: (0, 0)),
          pl.BlockSpec((1, 4 * D), lambda i: (0, 0)),
      ],
      out_specs=pl.BlockSpec((BN, D), lambda i: (i, 0)),
      out_shape=jax.ShapeDtypeStruct((N, D), jnp.float32),
  )(partials, wt, bsum)


def kernel(inputs, edge_index, W_ih, W_hh, b_ih, b_hh):
  src = edge_index[0].astype(jnp.int32)
  dst = edge_index[1].astype(jnp.int32)
  nw = NC * NS
  src3d = jnp.concatenate(
      [src, jnp.zeros((E_PAD - E,), jnp.int32)]).reshape(nw, CH_PER_TILE, CHUNK)
  dst3d = jnp.concatenate(
      [dst, jnp.full((E_PAD - E,), N, jnp.int32)]).reshape(nw, CH_PER_TILE, CHUNK)
  zeros = jnp.zeros((N_PAD, D), jnp.float32)

  partials = _sc_segment_sum(inputs, src3d, dst3d, zeros)

  wt = W_ih.T
  bsum = (b_ih + b_hh).reshape(1, 4 * D)
  return _tc_lstm(partials, wt, bsum)

# --- scband reference (transcript-rebuilt; emitter-appended) ---
"""Pipeline reference for scband-tgcncell-66099546685627 (READ-ONLY COPY).

The authoritative reference and input builder live on the scoring server;
editing this copy changes nothing except your own understanding.
"""

import jax, jax.numpy as jnp
import numpy as np

N = 10000
E = 320000
D_IN = 128
D_OUT = 128


def setup_inputs(seed: int = 0) -> dict:
    key = jax.random.key(seed)
    k1, k2, k3, k4, k5, k6 = jax.random.split(key, 6)
    inputs = jax.random.normal(k1, (N, D_IN), dtype=jnp.float32)
    edge_index = jax.random.randint(k2, (2, E), 0, N)
    scale = 1.0 / np.sqrt(D_OUT)
    W_ih = jax.random.uniform(k3, (4 * D_OUT, D_IN), jnp.float32, -scale, scale)
    W_hh = jax.random.uniform(k4, (4 * D_OUT, D_OUT), jnp.float32, -scale, scale)
    b_ih = jax.random.uniform(k5, (4 * D_OUT,), jnp.float32, -scale, scale)
    b_hh = jax.random.uniform(k6, (4 * D_OUT,), jnp.float32, -scale, scale)
    return {"inputs": inputs, "edge_index": edge_index, "W_ih": W_ih,
            "W_hh": W_hh, "b_ih": b_ih, "b_hh": b_hh}


def reference(inputs, edge_index, W_ih, W_hh, b_ih, b_hh):
    # dropout with p=0.0 (or eval mode) is identity
    src = edge_index[0]
    dst = edge_index[1]
    # gcn_msg = copy_src('h'); gcn_reduce = sum -> scatter-add of source feats to dst
    msgs = jnp.take(inputs, src, axis=0)
    h = jax.ops.segment_sum(msgs, dst, num_segments=N)
    # nn.LSTMCell with no provided (hx, cx): zero initial states
    h0 = jnp.zeros((N, D_OUT), dtype=inputs.dtype)
    c0 = jnp.zeros((N, D_OUT), dtype=inputs.dtype)
    gates = h @ W_ih.T + b_ih + h0 @ W_hh.T + b_hh
    i_g, f_g, g_g, o_g = jnp.split(gates, 4, axis=1)
    i_g = jax.nn.sigmoid(i_g)
    f_g = jax.nn.sigmoid(f_g)
    g_g = jnp.tanh(g_g)
    o_g = jax.nn.sigmoid(o_g)
    c_new = f_g * c0 + i_g * g_g
    h_new = o_g * jnp.tanh(c_new)
    # activf = F.relu applied to the LSTM hidden output
    out = jax.nn.relu(h_new)
    return out

if __name__ == "__main__":
    import jax
    _d = setup_inputs()
    print(jax.jit(kernel)(*tuple(_d.values())))

</pallas_src>

<mosaic_0001>
#map = affine_map<(d0, d1) -> (0, 0)>
#map1 = affine_map<(d0, d1) -> (0, 0, 0)>
module attributes {stable_mosaic.version = 14 : i64} {
  func.func @seg_sum(%arg0: i32, %arg1: i32, %arg2: memref<10000x128xf32, #tpu.memory_space<hbm>>, %arg3: memref<32x160x64xi32, #tpu.memory_space<hbm>>, %arg4: memref<32x160x64xi32, #tpu.memory_space<hbm>>, %arg5: memref<10112x128xf32, #tpu.memory_space<hbm>>, %arg6: memref<2x10112x128xf32, #tpu.memory_space<hbm>>, %arg7: memref<2x80x64xi32, #tpu.memory_space<vmem>>, %arg8: memref<2x64x128xf32, #tpu.memory_space<vmem>>, %arg9: memref<10112x128xf32, #tpu.memory_space<vmem_shared>>, %arg10: memref<!tpu.dma_semaphore, #tpu.memory_space<semaphore_mem>>, %arg11: memref<!tpu.dma_semaphore, #tpu.memory_space<semaphore_mem>>, %arg12: memref<!tpu.dma_semaphore, #tpu.memory_space<semaphore_mem>>, %arg13: memref<!tpu.dma_semaphore, #tpu.memory_space<semaphore_mem>>) attributes {dimension_semantics = [#tpu.dimension_semantics<core_parallel>, #tpu.dimension_semantics<subcore_parallel>], iteration_bounds = array<i64: 2, 16>, scalar_prefetch = 0 : i64, scratch_operands = 7 : i64, tpu.core_type = #tpu.core_type<sc_vector_subcore>, window_params = [{transform_indices = #map}, {transform_indices = #map1}, {transform_indices = #map1}, {transform_indices = #map}, {transform_indices = #map1}]} {
    %mul3A = arith.constant 16 : i32
    %mul3A_0 = arith.muli %arg0, %mul3A : i32
    %add3A = arith.addi %mul3A_0, %arg1 : i32
    %mul3A_1 = arith.constant 632 : i32
    %mul3A_2 = arith.muli %arg1, %mul3A_1 : i32
    %mul3A_3 = arith.constant 632 : i32
    %mul3A_4 = arith.muli %arg1, %mul3A_3 : i32
    "tpu.region"() ({
      %run_scoped3A = tpu.sem_alloc : memref<!tpu.dma_semaphore, #tpu.memory_space<semaphore_mem>>
      %dma_start3A = arith.constant 0 : i32
      %dma_start3A_17 = tpu.memref_slice %arg9[%mul3A_4, %dma_start3A] : memref<10112x128xf32, #tpu.memory_space<vmem_shared>> -> memref<632x128xf32, #tpu.memory_space<vmem_shared>>
      %dma_start3A_18 = arith.constant 0 : i32
      %dma_start3A_19 = tpu.memref_slice %arg5[%mul3A_2, %dma_start3A_18] : memref<10112x128xf32, #tpu.memory_space<hbm>> -> memref<632x128xf32, #tpu.memory_space<hbm>>
      tpu.enqueue_dma source(%dma_start3A_19 : memref<632x128xf32, #tpu.memory_space<hbm>>) target(%dma_start3A_17 : memref<632x128xf32, #tpu.memory_space<vmem_shared>>) target_semaphore(%run_scoped3A : memref<!tpu.dma_semaphore, #tpu.memory_space<semaphore_mem>>)
      %dma_wait3A = arith.constant 0 : i32
      %dma_wait3A_20 = tpu.memref_slice %arg9[%mul3A_4, %dma_wait3A] : memref<10112x128xf32, #tpu.memory_space<vmem_shared>> -> memref<632x128xf32, #tpu.memory_space<vmem_shared>>
      %dma_wait3A_21 = arith.constant 0 : i32
      %dma_wait3A_22 = tpu.memref_slice %arg5[%mul3A_2, %dma_wait3A_21] : memref<10112x128xf32, #tpu.memory_space<hbm>> -> memref<632x128xf32, #tpu.memory_space<hbm>>
      tpu.wait_dma2 semaphore(%run_scoped3A : memref<!tpu.dma_semaphore, #tpu.memory_space<semaphore_mem>>) src(%dma_wait3A_22 : memref<632x128xf32, #tpu.memory_space<hbm>>) dst(%dma_wait3A_20 : memref<632x128xf32, #tpu.memory_space<vmem_shared>>)
      tpu.yield
    }) : () -> ()
    %barrier3A = arith.constant 0 : index
    tpu.barrier barrier_id(%barrier3A)
    %scan3A = arith.constant 0 : i32
    %scan3A_5 = arith.constant 0 : i32
    %scan3A_6 = arith.constant 1 : i32
    %scan3A_7 = arith.constant 0 : i32
    %scan3A_8 = arith.constant 2 : i32
    %scan3A_9 = arith.addi %scan3A_7, %scan3A_8 : i32
    %scan3A_10 = arith.constant 1 : i32
    scf.for %scan3A_17 = %scan3A_7 to %scan3A_9 step %scan3A_10  : i32 {
      %mul3A_18 = arith.constant 80 : i32
      %mul3A_19 = arith.muli %scan3A_17, %mul3A_18 : i32
      %run_scoped3A = arith.constant 0 : i32
      "tpu.region"() ({
        %run_scoped3A_52 = tpu.sem_alloc : memref<!tpu.dma_semaphore, #tpu.memory_space<semaphore_mem>>
        %dma_start3A_53 = arith.constant 0 : i32
        %dma_start3A_54 = arith.constant 0 : i32
        %dma_start3A_55 = tpu.memref_slice %arg7[%run_scoped3A, %dma_start3A_53, %dma_start3A_54] : memref<2x80x64xi32, #tpu.memory_space<vmem>> -> memref<1x80x64xi32, #tpu.memory_space<vmem>>
        %dma_start3A_56 = tpu.memref_squeeze %dma_start3A_55 : memref<1x80x64xi32, #tpu.memory_space<vmem>> -> memref<80x64xi32, #tpu.memory_space<vmem>>
        %dma_start3A_57 = arith.constant 0 : i32
        %dma_start3A_58 = tpu.memref_slice %arg3[%add3A, %mul3A_19, %dma_start3A_57] : memref<32x160x64xi32, #tpu.memory_space<hbm>> -> memref<1x80x64xi32, #tpu.memory_space<hbm>>
        %dma_start3A_59 = tpu.memref_squeeze %dma_start3A_58 : memref<1x80x64xi32, #tpu.memory_space<hbm>> -> memref<80x64xi32, #tpu.memory_space<hbm>>
        %dma_start3A_60 = arith.constant 0 : i32
        %dma_start3A_61 = arith.constant 0 : i32
        %dma_start3A_62 = tpu.memref_slice %arg7[%run_scoped3A, %dma_start3A_60, %dma_start3A_61] : memref<2x80x64xi32, #tpu.memory_space<vmem>> -> memref<1x80x64xi32, #tpu.memory_space<vmem>>
        %dma_start3A_63 = tpu.memref_squeeze %dma_start3A_62 : memref<1x80x64xi32, #tpu.memory_space<vmem>> -> memref<80x64xi32, #tpu.memory_space<vmem>>
        %dma_start3A_64 = arith.constant 0 : i32
        %dma_start3A_65 = tpu.memref_slice %arg3[%add3A, %mul3A_19, %dma_start3A_64] : memref<32x160x64xi32, #tpu.memory_space<hbm>> -> memref<1x80x64xi32, #tpu.memory_space<hbm>>
        %dma_start3A_66 = tpu.memref_squeeze %dma_start3A_65 : memref<1x80x64xi32, #tpu.memory_space<hbm>> -> memref<80x64xi32, #tpu.memory_space<hbm>>
        tpu.enqueue_dma source(%dma_start3A_66 : memref<80x64xi32, #tpu.memory_space<hbm>>) target(%dma_start3A_63 : memref<80x64xi32, #tpu.memory_space<vmem>>) target_semaphore(%run_scoped3A_52 : memref<!tpu.dma_semaphore, #tpu.memory_space<semaphore_mem>>)
        %dma_wait3A = arith.constant 0 : i32
        %dma_wait3A_67 = arith.constant 0 : i32
        %dma_wait3A_68 = tpu.memref_slice %arg7[%run_scoped3A, %dma_wait3A, %dma_wait3A_67] : memref<2x80x64xi32, #tpu.memory_space<vmem>> -> memref<1x80x64xi32, #tpu.memory_space<vmem>>
        %dma_wait3A_69 = tpu.memref_squeeze %dma_wait3A_68 : memref<1x80x64xi32, #tpu.memory_space<vmem>> -> memref<80x64xi32, #tpu.memory_space<vmem>>
        %dma_wait3A_70 = arith.constant 0 : i32
        %dma_wait3A_71 = tpu.memref_slice %arg3[%add3A, %mul3A_19, %dma_wait3A_70] : memref<32x160x64xi32, #tpu.memory_space<hbm>> -> memref<1x80x64xi32, #tpu.memory_space<hbm>>
        %dma_wait3A_72 = tpu.memref_squeeze %dma_wait3A_71 : memref<1x80x64xi32, #tpu.memory_space<hbm>> -> memref<80x64xi32, #tpu.memory_space<hbm>>
        %dma_wait3A_73 = arith.constant 0 : i32
        %dma_wait3A_74 = arith.constant 0 : i32
        %dma_wait3A_75 = tpu.memref_slice %arg7[%run_scoped3A, %dma_wait3A_73, %dma_wait3A_74] : memref<2x80x64xi32, #tpu.memory_space<vmem>> -> memref<1x80x64xi32, #tpu.memory_space<vmem>>
        %dma_wait3A_76 = tpu.memref_squeeze %dma_wait3A_75 : memref<1x80x64xi32, #tpu.memory_space<vmem>> -> memref<80x64xi32, #tpu.memory_space<vmem>>
        %dma_wait3A_77 = arith.constant 0 : i32
        %dma_wait3A_78 = tpu.memref_slice %arg3[%add3A, %mul3A_19, %dma_wait3A_77] : memref<32x160x64xi32, #tpu.memory_space<hbm>> -> memref<1x80x64xi32, #tpu.memory_space<hbm>>
        %dma_wait3A_79 = tpu.memref_squeeze %dma_wait3A_78 : memref<1x80x64xi32, #tpu.memory_space<hbm>> -> memref<80x64xi32, #tpu.memory_space<hbm>>
        tpu.wait_dma2 semaphore(%run_scoped3A_52 : memref<!tpu.dma_semaphore, #tpu.memory_space<semaphore_mem>>) src(%dma_wait3A_79 : memref<80x64xi32, #tpu.memory_space<hbm>>) dst(%dma_wait3A_76 : memref<80x64xi32, #tpu.memory_space<vmem>>)
        tpu.yield
      }) : () -> ()
      %mul3A_20 = arith.constant 80 : i32
      %mul3A_21 = arith.muli %scan3A_17, %mul3A_20 : i32
      %run_scoped3A_22 = arith.constant 1 : i32
      "tpu.region"() ({
        %run_scoped3A_52 = tpu.sem_alloc : memref<!tpu.dma_semaphore, #tpu.memory_space<semaphore_mem>>
        %dma_start3A_53 = arith.constant 0 : i32
        %dma_start3A_54 = arith.constant 0 : i32
        %dma_start3A_55 = tpu.memref_slice %arg7[%run_scoped3A_22, %dma_start3A_53, %dma_start3A_54] : memref<2x80x64xi32, #tpu.memory_space<vmem>> -> memref<1x80x64xi32, #tpu.memory_space<vmem>>
        %dma_start3A_56 = tpu.memref_squeeze %dma_start3A_55 : memref<1x80x64xi32, #tpu.memory_space<vmem>> -> memref<80x64xi32, #tpu.memory_space<vmem>>
        %dma_start3A_57 = arith.constant 0 : i32
        %dma_start3A_58 = tpu.memref_slice %arg4[%add3A, %mul3A_21, %dma_start3A_57] : memref<32x160x64xi32, #tpu.memory_space<hbm>> -> memref<1x80x64xi32, #tpu.memory_space<hbm>>
        %dma_start3A_59 = tpu.memref_squeeze %dma_start3A_58 : memref<1x80x64xi32, #tpu.memory_space<hbm>> -> memref<80x64xi32, #tpu.memory_space<hbm>>
        %dma_start3A_60 = arith.constant 0 : i32
        %dma_start3A_61 = arith.constant 0 : i32
        %dma_start3A_62 = tpu.memref_slice %arg7[%run_scoped3A_22, %dma_start3A_60, %dma_start3A_61] : memref<2x80x64xi32, #tpu.memory_space<vmem>> -> memref<1x80x64xi32, #tpu.memory_space<vmem>>
        %dma_start3A_63 = tpu.memref_squeeze %dma_start3A_62 : memref<1x80x64xi32, #tpu.memory_space<vmem>> -> memref<80x64xi32, #tpu.memory_space<vmem>>
        %dma_start3A_64 = arith.constant 0 : i32
        %dma_start3A_65 = tpu.memref_slice %arg4[%add3A, %mul3A_21, %dma_start3A_64] : memref<32x160x64xi32, #tpu.memory_space<hbm>> -> memref<1x80x64xi32, #tpu.memory_space<hbm>>
        %dma_start3A_66 = tpu.memref_squeeze %dma_start3A_65 : memref<1x80x64xi32, #tpu.memory_space<hbm>> -> memref<80x64xi32, #tpu.memory_space<hbm>>
        tpu.enqueue_dma source(%dma_start3A_66 : memref<80x64xi32, #tpu.memory_space<hbm>>) target(%dma_start3A_63 : memref<80x64xi32, #tpu.memory_space<vmem>>) target_semaphore(%run_scoped3A_52 : memref<!tpu.dma_semaphore, #tpu.memory_space<semaphore_mem>>)
        %dma_wait3A = arith.constant 0 : i32
        %dma_wait3A_67 = arith.constant 0 : i32
        %dma_wait3A_68 = tpu.memref_slice %arg7[%run_scoped3A_22, %dma_wait3A, %dma_wait3A_67] : memref<2x80x64xi32, #tpu.memory_space<vmem>> -> memref<1x80x64xi32, #tpu.memory_space<vmem>>
        %dma_wait3A_69 = tpu.memref_squeeze %dma_wait3A_68 : memref<1x80x64xi32, #tpu.memory_space<vmem>> -> memref<80x64xi32, #tpu.memory_space<vmem>>
        %dma_wait3A_70 = arith.constant 0 : i32
        %dma_wait3A_71 = tpu.memref_slice %arg4[%add3A, %mul3A_21, %dma_wait3A_70] : memref<32x160x64xi32, #tpu.memory_space<hbm>> -> memref<1x80x64xi32, #tpu.memory_space<hbm>>
        %dma_wait3A_72 = tpu.memref_squeeze %dma_wait3A_71 : memref<1x80x64xi32, #tpu.memory_space<hbm>> -> memref<80x64xi32, #tpu.memory_space<hbm>>
        %dma_wait3A_73 = arith.constant 0 : i32
        %dma_wait3A_74 = arith.constant 0 : i32
        %dma_wait3A_75 = tpu.memref_slice %arg7[%run_scoped3A_22, %dma_wait3A_73, %dma_wait3A_74] : memref<2x80x64xi32, #tpu.memory_space<vmem>> -> memref<1x80x64xi32, #tpu.memory_space<vmem>>
        %dma_wait3A_76 = tpu.memref_squeeze %dma_wait3A_75 : memref<1x80x64xi32, #tpu.memory_space<vmem>> -> memref<80x64xi32, #tpu.memory_space<vmem>>
        %dma_wait3A_77 = arith.constant 0 : i32
        %dma_wait3A_78 = tpu.memref_slice %arg4[%add3A, %mul3A_21, %dma_wait3A_77] : memref<32x160x64xi32, #tpu.memory_space<hbm>> -> memref<1x80x64xi32, #tpu.memory_space<hbm>>
        %dma_wait3A_79 = tpu.memref_squeeze %dma_wait3A_78 : memref<1x80x64xi32, #tpu.memory_space<hbm>> -> memref<80x64xi32, #tpu.memory_space<hbm>>
        tpu.wait_dma2 semaphore(%run_scoped3A_52 : memref<!tpu.dma_semaphore, #tpu.memory_space<semaphore_mem>>) src(%dma_wait3A_79 : memref<80x64xi32, #tpu.memory_space<hbm>>) dst(%dma_wait3A_76 : memref<80x64xi32, #tpu.memory_space<vmem>>)
        tpu.yield
      }) : () -> ()
      %dma_start3A = arith.constant 0 : i32
      %dma_start3A_23 = arith.constant 0 : i32
      %dma_start3A_24 = arith.constant 0 : i32
      %dma_start3A_25 = arith.constant 0 : i32
      %dma_start3A_26 = tpu.memref_slice %arg8[%scan3A_5, %dma_start3A_24, %dma_start3A_25] : memref<2x64x128xf32, #tpu.memory_space<vmem>> -> memref<1x64x128xf32, #tpu.memory_space<vmem>>
      %dma_start3A_27 = tpu.memref_squeeze %dma_start3A_26 : memref<1x64x128xf32, #tpu.memory_space<vmem>> -> memref<64x128xf32, #tpu.memory_space<vmem>>
      %dma_start3A_28 = arith.constant 0 : i32
      %dma_start3A_29 = tpu.memref_slice %arg7[%dma_start3A, %dma_start3A_23, %dma_start3A_28] : memref<2x80x64xi32, #tpu.memory_space<vmem>> -> memref<1x1x64xi32, #tpu.memory_space<vmem>>
      %dma_start3A_30 = tpu.memref_squeeze %dma_start3A_29 : memref<1x1x64xi32, #tpu.memory_space<vmem>> -> memref<64xi32, #tpu.memory_space<vmem>>
      %dma_start3A_31 = arith.constant 0 : i32
      %dma_start3A_32 = arith.constant 0 : i32
      %dma_start3A_33 = tpu.memref_slice %arg2[%dma_start3A_31, %dma_start3A_32] : memref<10000x128xf32, #tpu.memory_space<hbm>> -> memref<10000x128xf32, #tpu.memory_space<hbm>>
      tpu.enqueue_indirect_dma source(%dma_start3A_33 : memref<10000x128xf32, #tpu.memory_space<hbm>>) target(%dma_start3A_27 : memref<64x128xf32, #tpu.memory_space<vmem>>) offsets(%dma_start3A_30 : memref<64xi32, #tpu.memory_space<vmem>>) semaphore(%arg10 : memref<!tpu.dma_semaphore, #tpu.memory_space<semaphore_mem>>)
      %dma_start3A_34 = arith.constant 0 : i32
      %dma_start3A_35 = arith.constant 1 : i32
      %dma_start3A_36 = arith.constant 0 : i32
      %dma_start3A_37 = arith.constant 0 : i32
      %dma_start3A_38 = tpu.memref_slice %arg8[%scan3A_6, %dma_start3A_36, %dma_start3A_37] : memref<2x64x128xf32, #tpu.memory_space<vmem>> -> memref<1x64x128xf32, #tpu.memory_space<vmem>>
      %dma_start3A_39 = tpu.memref_squeeze %dma_start3A_38 : memref<1x64x128xf32, #tpu.memory_space<vmem>> -> memref<64x128xf32, #tpu.memory_space<vmem>>
      %dma_start3A_40 = arith.constant 0 : i32
      %dma_start3A_41 = tpu.memref_slice %arg7[%dma_start3A_34, %dma_start3A_35, %dma_start3A_40] : memref<2x80x64xi32, #tpu.memory_space<vmem>> -> memref<1x1x64xi32, #tpu.memory_space<vmem>>
      %dma_start3A_42 = tpu.memref_squeeze %dma_start3A_41 : memref<1x1x64xi32, #tpu.memory_space<vmem>> -> memref<64xi32, #tpu.memory_space<vmem>>
      %dma_start3A_43 = arith.constant 0 : i32
      %dma_start3A_44 = arith.constant 0 : i32
      %dma_start3A_45 = tpu.memref_slice %arg2[%dma_start3A_43, %dma_start3A_44] : memref<10000x128xf32, #tpu.memory_space<hbm>> -> memref<10000x128xf32, #tpu.memory_space<hbm>>
      tpu.enqueue_indirect_dma source(%dma_start3A_45 : memref<10000x128xf32, #tpu.memory_space<hbm>>) target(%dma_start3A_39 : memref<64x128xf32, #tpu.memory_space<vmem>>) offsets(%dma_start3A_42 : memref<64xi32, #tpu.memory_space<vmem>>) semaphore(%arg11 : memref<!tpu.dma_semaphore, #tpu.memory_space<semaphore_mem>>)
      %scan3A_46 = arith.constant 0 : i32
      %scan3A_47 = arith.constant 0 : i32
      %scan3A_48 = arith.constant 40 : i32
      %scan3A_49 = arith.addi %scan3A_47, %scan3A_48 : i32
      %scan3A_50 = arith.constant 1 : i32
      scf.for %scan3A_52 = %scan3A_47 to %scan3A_49 step %scan3A_50  : i32 {
        %mul3A_53 = arith.constant 2 : i32
        %mul3A_54 = arith.muli %mul3A_53, %scan3A_52 : i32
        %dma_wait3A = arith.constant 0 : i32
        %dma_wait3A_55 = arith.constant 0 : i32
        %dma_wait3A_56 = tpu.memref_slice %arg8[%scan3A_5, %dma_wait3A, %dma_wait3A_55] : memref<2x64x128xf32, #tpu.memory_space<vmem>> -> memref<1x64x128xf32, #tpu.memory_space<vmem>>
        %dma_wait3A_57 = tpu.memref_squeeze %dma_wait3A_56 : memref<1x64x128xf32, #tpu.memory_space<vmem>> -> memref<64x128xf32, #tpu.memory_space<vmem>>
        %dma_wait3A_58 = arith.constant 0 : i32
        %dma_wait3A_59 = arith.constant 0 : i32
        %dma_wait3A_60 = tpu.memref_slice %arg2[%dma_wait3A_58, %dma_wait3A_59] : memref<10000x128xf32, #tpu.memory_space<hbm>> -> memref<64x128xf32, #tpu.memory_space<hbm>>
        %dma_wait3A_61 = arith.constant 0 : i32
        %dma_wait3A_62 = arith.constant 0 : i32
        %dma_wait3A_63 = tpu.memref_slice %arg8[%scan3A_5, %dma_wait3A_61, %dma_wait3A_62] : memref<2x64x128xf32, #tpu.memory_space<vmem>> -> memref<1x64x128xf32, #tpu.memory_space<vmem>>
        %dma_wait3A_64 = tpu.memref_squeeze %dma_wait3A_63 : memref<1x64x128xf32, #tpu.memory_space<vmem>> -> memref<64x128xf32, #tpu.memory_space<vmem>>
        %dma_wait3A_65 = arith.constant 0 : i32
        %dma_wait3A_66 = arith.constant 0 : i32
        %dma_wait3A_67 = tpu.memref_slice %arg2[%dma_wait3A_65, %dma_wait3A_66] : memref<10000x128xf32, #tpu.memory_space<hbm>> -> memref<64x128xf32, #tpu.memory_space<hbm>>
        tpu.wait_dma2 semaphore(%arg10 : memref<!tpu.dma_semaphore, #tpu.memory_space<semaphore_mem>>) src(%dma_wait3A_67 : memref<64x128xf32, #tpu.memory_space<hbm>>) dst(%dma_wait3A_64 : memref<64x128xf32, #tpu.memory_space<vmem>>)
        %dma_start3A_68 = arith.constant 1 : i32
        %dma_start3A_69 = arith.constant 0 : i32
        %dma_start3A_70 = arith.constant 0 : i32
        %dma_start3A_71 = tpu.memref_slice %arg8[%scan3A_5, %dma_start3A_69, %dma_start3A_70] : memref<2x64x128xf32, #tpu.memory_space<vmem>> -> memref<1x64x128xf32, #tpu.memory_space<vmem>>
        %dma_start3A_72 = tpu.memref_squeeze %dma_start3A_71 : memref<1x64x128xf32, #tpu.memory_space<vmem>> -> memref<64x128xf32, #tpu.memory_space<vmem>>
        %dma_start3A_73 = arith.constant 0 : i32
        %dma_start3A_74 = tpu.memref_slice %arg7[%dma_start3A_68, %mul3A_54, %dma_start3A_73] : memref<2x80x64xi32, #tpu.memory_space<vmem>> -> memref<1x1x64xi32, #tpu.memory_space<vmem>>
        %dma_start3A_75 = tpu.memref_squeeze %dma_start3A_74 : memref<1x1x64xi32, #tpu.memory_space<vmem>> -> memref<64xi32, #tpu.memory_space<vmem>>
        %dma_start3A_76 = arith.constant 0 : i32
        %dma_start3A_77 = arith.constant 0 : i32
        %dma_start3A_78 = tpu.memref_slice %arg9[%dma_start3A_76, %dma_start3A_77] : memref<10112x128xf32, #tpu.memory_space<vmem_shared>> -> memref<10112x128xf32, #tpu.memory_space<vmem_shared>>
        tpu.enqueue_indirect_dma source(%dma_start3A_72 : memref<64x128xf32, #tpu.memory_space<vmem>>) target(%dma_start3A_78 : memref<10112x128xf32, #tpu.memory_space<vmem_shared>>) offsets(%dma_start3A_75 : memref<64xi32, #tpu.memory_space<vmem>>) semaphore(%arg12 : memref<!tpu.dma_semaphore, #tpu.memory_space<semaphore_mem>>) {add = true}
        %dma_wait3A_79 = arith.constant 0 : i32
        %dma_wait3A_80 = arith.constant 0 : i32
        %dma_wait3A_81 = tpu.memref_slice %arg8[%scan3A_6, %dma_wait3A_79, %dma_wait3A_80] : memref<2x64x128xf32, #tpu.memory_space<vmem>> -> memref<1x64x128xf32, #tpu.memory_space<vmem>>
        %dma_wait3A_82 = tpu.memref_squeeze %dma_wait3A_81 : memref<1x64x128xf32, #tpu.memory_space<vmem>> -> memref<64x128xf32, #tpu.memory_space<vmem>>
        %dma_wait3A_83 = arith.constant 0 : i32
        %dma_wait3A_84 = arith.constant 0 : i32
        %dma_wait3A_85 = tpu.memref_slice %arg2[%dma_wait3A_83, %dma_wait3A_84] : memref<10000x128xf32, #tpu.memory_space<hbm>> -> memref<64x128xf32, #tpu.memory_space<hbm>>
        %dma_wait3A_86 = arith.constant 0 : i32
        %dma_wait3A_87 = arith.constant 0 : i32
        %dma_wait3A_88 = tpu.memref_slice %arg8[%scan3A_6, %dma_wait3A_86, %dma_wait3A_87] : memref<2x64x128xf32, #tpu.memory_space<vmem>> -> memref<1x64x128xf32, #tpu.memory_space<vmem>>
        %dma_wait3A_89 = tpu.memref_squeeze %dma_wait3A_88 : memref<1x64x128xf32, #tpu.memory_space<vmem>> -> memref<64x128xf32, #tpu.memory_space<vmem>>
        %dma_wait3A_90 = arith.constant 0 : i32
        %dma_wait3A_91 = arith.constant 0 : i32
        %dma_wait3A_92 = tpu.memref_slice %arg2[%dma_wait3A_90, %dma_wait3A_91] : memref<10000x128xf32, #tpu.memory_space<hbm>> -> memref<64x128xf32, #tpu.memory_space<hbm>>
        tpu.wait_dma2 semaphore(%arg11 : memref<!tpu.dma_semaphore, #tpu.memory_space<semaphore_mem>>) src(%dma_wait3A_92 : memref<64x128xf32, #tpu.memory_space<hbm>>) dst(%dma_wait3A_89 : memref<64x128xf32, #tpu.memory_space<vmem>>)
        %add3A_93 = arith.constant 1 : i32
        %add3A_94 = arith.addi %mul3A_54, %add3A_93 : i32
        %dma_start3A_95 = arith.constant 1 : i32
        %dma_start3A_96 = arith.constant 0 : i32
        %dma_start3A_97 = arith.constant 0 : i32
        %dma_start3A_98 = tpu.memref_slice %arg8[%scan3A_6, %dma_start3A_96, %dma_start3A_97] : memref<2x64x128xf32, #tpu.memory_space<vmem>> -> memref<1x64x128xf32, #tpu.memory_space<vmem>>
        %dma_start3A_99 = tpu.memref_squeeze %dma_start3A_98 : memref<1x64x128xf32, #tpu.memory_space<vmem>> -> memref<64x128xf32, #tpu.memory_space<vmem>>
        %dma_start3A_100 = arith.constant 0 : i32
        %dma_start3A_101 = tpu.memref_slice %arg7[%dma_start3A_95, %add3A_94, %dma_start3A_100] : memref<2x80x64xi32, #tpu.memory_space<vmem>> -> memref<1x1x64xi32, #tpu.memory_space<vmem>>
        %dma_start3A_102 = tpu.memref_squeeze %dma_start3A_101 : memref<1x1x64xi32, #tpu.memory_space<vmem>> -> memref<64xi32, #tpu.memory_space<vmem>>
        %dma_start3A_103 = arith.constant 0 : i32
        %dma_start3A_104 = arith.constant 0 : i32
        %dma_start3A_105 = tpu.memref_slice %arg9[%dma_start3A_103, %dma_start3A_104] : memref<10112x128xf32, #tpu.memory_space<vmem_shared>> -> memref<10112x128xf32, #tpu.memory_space<vmem_shared>>
        tpu.enqueue_indirect_dma source(%dma_start3A_99 : memref<64x128xf32, #tpu.memory_space<vmem>>) target(%dma_start3A_105 : memref<10112x128xf32, #tpu.memory_space<vmem_shared>>) offsets(%dma_start3A_102 : memref<64xi32, #tpu.memory_space<vmem>>) semaphore(%arg13 : memref<!tpu.dma_semaphore, #tpu.memory_space<semaphore_mem>>) {add = true}
        %dma_wait3A_106 = arith.constant 0 : i32
        %dma_wait3A_107 = arith.constant 0 : i32
        %dma_wait3A_108 = tpu.memref_slice %arg8[%scan3A_5, %dma_wait3A_106, %dma_wait3A_107] : memref<2x64x128xf32, #tpu.memory_space<vmem>> -> memref<1x64x128xf32, #tpu.memory_space<vmem>>
        %dma_wait3A_109 = tpu.memref_squeeze %dma_wait3A_108 : memref<1x64x128xf32, #tpu.memory_space<vmem>> -> memref<64x128xf32, #tpu.memory_space<vmem>>
        %dma_wait3A_110 = arith.constant 0 : i32
        %dma_wait3A_111 = arith.constant 0 : i32
        %dma_wait3A_112 = tpu.memref_slice %arg9[%dma_wait3A_110, %dma_wait3A_111] : memref<10112x128xf32, #tpu.memory_space<vmem_shared>> -> memref<64x128xf32, #tpu.memory_space<vmem_shared>>
        %dma_wait3A_113 = arith.constant 0 : i32
        %dma_wait3A_114 = arith.constant 0 : i32
        %dma_wait3A_115 = tpu.memref_slice %arg9[%dma_wait3A_113, %dma_wait3A_114] : memref<10112x128xf32, #tpu.memory_space<vmem_shared>> -> memref<64x128xf32, #tpu.memory_space<vmem_shared>>
        %dma_wait3A_116 = arith.constant 0 : i32
        %dma_wait3A_117 = arith.constant 0 : i32
        %dma_wait3A_118 = tpu.memref_slice %arg8[%scan3A_5, %dma_wait3A_116, %dma_wait3A_117] : memref<2x64x128xf32, #tpu.memory_space<vmem>> -> memref<1x64x128xf32, #tpu.memory_space<vmem>>
        %dma_wait3A_119 = tpu.memref_squeeze %dma_wait3A_118 : memref<1x64x128xf32, #tpu.memory_space<vmem>> -> memref<64x128xf32, #tpu.memory_space<vmem>>
        tpu.wait_dma2 semaphore(%arg12 : memref<!tpu.dma_semaphore, #tpu.memory_space<semaphore_mem>>) src(%dma_wait3A_119 : memref<64x128xf32, #tpu.memory_space<vmem>>) dst(%dma_wait3A_115 : memref<64x128xf32, #tpu.memory_space<vmem_shared>>)
        %lt3A = arith.constant 39 : i32
        %lt3A_120 = arith.cmpi slt, %scan3A_52, %lt3A : i32
        %convert_element_type3A = arith.extui %lt3A_120 : i1 to i32
        %cond3A = arith.constant 0 : i32
        %cond3A_121 = arith.cmpi ne, %convert_element_type3A, %cond3A : i32
        scf.if %cond3A_121 {
          %add3A_141 = arith.constant 2 : i32
          %add3A_142 = arith.addi %mul3A_54, %add3A_141 : i32
          %dma_start3A_143 = arith.constant 0 : i32
          %dma_start3A_144 = arith.constant 0 : i32
          %dma_start3A_145 = arith.constant 0 : i32
          %dma_start3A_146 = tpu.memref_slice %arg8[%scan3A_5, %dma_start3A_144, %dma_start3A_145] : memref<2x64x128xf32, #tpu.memory_space<vmem>> -> memref<1x64x128xf32, #tpu.memory_space<vmem>>
          %dma_start3A_147 = tpu.memref_squeeze %dma_start3A_146 : memref<1x64x128xf32, #tpu.memory_space<vmem>> -> memref<64x128xf32, #tpu.memory_space<vmem>>
          %dma_start3A_148 = arith.constant 0 : i32
          %dma_start3A_149 = tpu.memref_slice %arg7[%dma_start3A_143, %add3A_142, %dma_start3A_148] : memref<2x80x64xi32, #tpu.memory_space<vmem>> -> memref<1x1x64xi32, #tpu.memory_space<vmem>>
          %dma_start3A_150 = tpu.memref_squeeze %dma_start3A_149 : memref<1x1x64xi32, #tpu.memory_space<vmem>> -> memref<64xi32, #tpu.memory_space<vmem>>
          %dma_start3A_151 = arith.constant 0 : i32
          %dma_start3A_152 = arith.constant 0 : i32
          %dma_start3A_153 = tpu.memref_slice %arg2[%dma_start3A_151, %dma_start3A_152] : memref<10000x128xf32, #tpu.memory_space<hbm>> -> memref<10000x128xf32, #tpu.memory_space<hbm>>
          tpu.enqueue_indirect_dma source(%dma_start3A_153 : memref<10000x128xf32, #tpu.memory_space<hbm>>) target(%dma_start3A_147 : memref<64x128xf32, #tpu.memory_space<vmem>>) offsets(%dma_start3A_150 : memref<64xi32, #tpu.memory_space<vmem>>) semaphore(%arg10 : memref<!tpu.dma_semaphore, #tpu.memory_space<semaphore_mem>>)
        } else {
        }
        %dma_wait3A_122 = arith.constant 0 : i32
        %dma_wait3A_123 = arith.constant 0 : i32
        %dma_wait3A_124 = tpu.memref_slice %arg8[%scan3A_6, %dma_wait3A_122, %dma_wait3A_123] : memref<2x64x128xf32, #tpu.memory_space<vmem>> -> memref<1x64x128xf32, #tpu.memory_space<vmem>>
        %dma_wait3A_125 = tpu.memref_squeeze %dma_wait3A_124 : memref<1x64x128xf32, #tpu.memory_space<vmem>> -> memref<64x128xf32, #tpu.memory_space<vmem>>
        %dma_wait3A_126 = arith.constant 0 : i32
        %dma_wait3A_127 = arith.constant 0 : i32
        %dma_wait3A_128 = tpu.memref_slice %arg9[%dma_wait3A_126, %dma_wait3A_127] : memref<10112x128xf32, #tpu.memory_space<vmem_shared>> -> memref<64x128xf32, #tpu.memory_space<vmem_shared>>
        %dma_wait3A_129 = arith.constant 0 : i32
        %dma_wait3A_130 = arith.constant 0 : i32
        %dma_wait3A_131 = tpu.memref_slice %arg9[%dma_wait3A_129, %dma_wait3A_130] : memref<10112x128xf32, #tpu.memory_space<vmem_shared>> -> memref<64x128xf32, #tpu.memory_space<vmem_shared>>
        %dma_wait3A_132 = arith.constant 0 : i32
        %dma_wait3A_133 = arith.constant 0 : i32
        %dma_wait3A_134 = tpu.memref_slice %arg8[%scan3A_6, %dma_wait3A_132, %dma_wait3A_133] : memref<2x64x128xf32, #tpu.memory_space<vmem>> -> memref<1x64x128xf32, #tpu.memory_space<vmem>>
        %dma_wait3A_135 = tpu.memref_squeeze %dma_wait3A_134 : memref<1x64x128xf32, #tpu.memory_space<vmem>> -> memref<64x128xf32, #tpu.memory_space<vmem>>
        tpu.wait_dma2 semaphore(%arg13 : memref<!tpu.dma_semaphore, #tpu.memory_space<semaphore_mem>>) src(%dma_wait3A_135 : memref<64x128xf32, #tpu.memory_space<vmem>>) dst(%dma_wait3A_131 : memref<64x128xf32, #tpu.memory_space<vmem_shared>>)
        %lt3A_136 = arith.constant 39 : i32
        %lt3A_137 = arith.cmpi slt, %scan3A_52, %lt3A_136 : i32
        %convert_element_type3A_138 = arith.extui %lt3A_137 : i1 to i32
        %cond3A_139 = arith.constant 0 : i32
        %cond3A_140 = arith.cmpi ne, %convert_element_type3A_138, %cond3A_139 : i32
        scf.if %cond3A_140 {
          %add3A_141 = arith.constant 3 : i32
          %add3A_142 = arith.addi %mul3A_54, %add3A_141 : i32
          %dma_start3A_143 = arith.constant 0 : i32
          %dma_start3A_144 = arith.constant 0 : i32
          %dma_start3A_145 = arith.constant 0 : i32
          %dma_start3A_146 = tpu.memref_slice %arg8[%scan3A_6, %dma_start3A_144, %dma_start3A_145] : memref<2x64x128xf32, #tpu.memory_space<vmem>> -> memref<1x64x128xf32, #tpu.memory_space<vmem>>
          %dma_start3A_147 = tpu.memref_squeeze %dma_start3A_146 : memref<1x64x128xf32, #tpu.memory_space<vmem>> -> memref<64x128xf32, #tpu.memory_space<vmem>>
          %dma_start3A_148 = arith.constant 0 : i32
          %dma_start3A_149 = tpu.memref_slice %arg7[%dma_start3A_143, %add3A_142, %dma_start3A_148] : memref<2x80x64xi32, #tpu.memory_space<vmem>> -> memref<1x1x64xi32, #tpu.memory_space<vmem>>
          %dma_start3A_150 = tpu.memref_squeeze %dma_start3A_149 : memref<1x1x64xi32, #tpu.memory_space<vmem>> -> memref<64xi32, #tpu.memory_space<vmem>>
          %dma_start3A_151 = arith.constant 0 : i32
          %dma_start3A_152 = arith.constant 0 : i32
          %dma_start3A_153 = tpu.memref_slice %arg2[%dma_start3A_151, %dma_start3A_152] : memref<10000x128xf32, #tpu.memory_space<hbm>> -> memref<10000x128xf32, #tpu.memory_space<hbm>>
          tpu.enqueue_indirect_dma source(%dma_start3A_153 : memref<10000x128xf32, #tpu.memory_space<hbm>>) target(%dma_start3A_147 : memref<64x128xf32, #tpu.memory_space<vmem>>) offsets(%dma_start3A_150 : memref<64xi32, #tpu.memory_space<vmem>>) semaphore(%arg11 : memref<!tpu.dma_semaphore, #tpu.memory_space<semaphore_mem>>)
        } else {
        }
      }
      %scan3A_51 = arith.constant 40 : i32
    }
    %scan3A_11 = arith.constant 2 : i32
    %barrier3A_12 = arith.constant 0 : index
    tpu.barrier barrier_id(%barrier3A_12)
    %mul3A_13 = arith.constant 632 : i32
    %mul3A_14 = arith.muli %arg1, %mul3A_13 : i32
    %mul3A_15 = arith.constant 632 : i32
    %mul3A_16 = arith.muli %arg1, %mul3A_15 : i32
    "tpu.region"() ({
      %run_scoped3A = tpu.sem_alloc : memref<!tpu.dma_semaphore, #tpu.memory_space<semaphore_mem>>
      %dma_start3A = arith.constant 0 : i32
      %dma_start3A_17 = tpu.memref_slice %arg6[%arg0, %mul3A_16, %dma_start3A] : memref<2x10112x128xf32, #tpu.memory_space<hbm>> -> memref<1x632x128xf32, #tpu.memory_space<hbm>>
      %dma_start3A_18 = tpu.memref_squeeze %dma_start3A_17 : memref<1x632x128xf32, #tpu.memory_space<hbm>> -> memref<632x128xf32, #tpu.memory_space<hbm>>
      %dma_start3A_19 = arith.constant 0 : i32
      %dma_start3A_20 = tpu.memref_slice %arg9[%mul3A_14, %dma_start3A_19] : memref<10112x128xf32, #tpu.memory_space<vmem_shared>> -> memref<632x128xf32, #tpu.memory_space<vmem_shared>>
      tpu.enqueue_dma source(%dma_start3A_20 : memref<632x128xf32, #tpu.memory_space<vmem_shared>>) target(%dma_start3A_18 : memref<632x128xf32, #tpu.memory_space<hbm>>) target_semaphore(%run_scoped3A : memref<!tpu.dma_semaphore, #tpu.memory_space<semaphore_mem>>)
      %dma_wait3A = arith.constant 0 : i32
      %dma_wait3A_21 = tpu.memref_slice %arg6[%arg0, %mul3A_16, %dma_wait3A] : memref<2x10112x128xf32, #tpu.memory_space<hbm>> -> memref<1x632x128xf32, #tpu.memory_space<hbm>>
      %dma_wait3A_22 = tpu.memref_squeeze %dma_wait3A_21 : memref<1x632x128xf32, #tpu.memory_space<hbm>> -> memref<632x128xf32, #tpu.memory_space<hbm>>
      %dma_wait3A_23 = arith.constant 0 : i32
      %dma_wait3A_24 = tpu.memref_slice %arg9[%mul3A_14, %dma_wait3A_23] : memref<10112x128xf32, #tpu.memory_space<vmem_shared>> -> memref<632x128xf32, #tpu.memory_space<vmem_shared>>
      tpu.wait_dma2 semaphore(%run_scoped3A : memref<!tpu.dma_semaphore, #tpu.memory_space<semaphore_mem>>) src(%dma_wait3A_24 : memref<632x128xf32, #tpu.memory_space<vmem_shared>>) dst(%dma_wait3A_22 : memref<632x128xf32, #tpu.memory_space<hbm>>)
      tpu.yield
    }) : () -> ()
    return
  }
}

module attributes {stable_mosaic.version = 14 : i64} {
  func.func @_lstm_block(%arg0: i32, %arg1: memref<2x400x128xf32, #tpu.memory_space<vmem>>, %arg2: memref<128x512xf32, #tpu.memory_space<vmem>>, %arg3: memref<1x512xf32, #tpu.memory_space<vmem>>, %arg4: memref<400x128xf32, #tpu.memory_space<vmem>>) attributes {dimension_semantics = [#tpu.dimension_semantics<arbitrary>], iteration_bounds = array<i64: 25>, scalar_prefetch = 0 : i64, scratch_operands = 0 : i64, tpu.core_type = #tpu.core_type<tc>, window_params = [{transform_indices = @transform_0, window_bounds = array<i64: 2, 400, 128>}, {pipeline_mode = #tpu.pipeline_mode<synchronous>, transform_indices = @transform_1, window_bounds = array<i64: 128, 512>}, {pipeline_mode = #tpu.pipeline_mode<synchronous>, transform_indices = @transform_2, window_bounds = array<i64: 1, 512>}, {transform_indices = @transform_3, window_bounds = array<i64: 400, 128>}]} {
    %get3A = arith.constant 0 : index
    %get3A_0 = arith.constant 0 : index
    %get3A_1 = arith.constant 0 : index
    %get3A_2 = vector.load %arg1[%get3A, %get3A_0, %get3A_1] : memref<2x400x128xf32, #tpu.memory_space<vmem>>, vector<1x400x128xf32>
    %get3A_3 = vector.shape_cast %get3A_2 : vector<1x400x128xf32> to vector<400x128xf32>
    %get3A_4 = arith.constant 1 : index
    %get3A_5 = arith.constant 0 : index
    %get3A_6 = arith.constant 0 : index
    %get3A_7 = vector.load %arg1[%get3A_4, %get3A_5, %get3A_6] : memref<2x400x128xf32, #tpu.memory_space<vmem>>, vector<1x400x128xf32>
    %get3A_8 = vector.shape_cast %get3A_7 : vector<1x400x128xf32> to vector<400x128xf32>
    %add3A = arith.addf %get3A_3, %get3A_8 : vector<400x128xf32>
    %get3A_9 = arith.constant 0 : index
    %get3A_10 = arith.constant 0 : index
    %get3A_11 = vector.load %arg2[%get3A_9, %get3A_10] : memref<128x512xf32, #tpu.memory_space<vmem>>, vector<128x512xf32>
    %dot_general3A = arith.constant dense<0.000000e+00> : vector<400x512xf32>
    %dot_general3A_12 = tpu.matmul %add3A, %get3A_11, %dot_general3A {dimension_numbers = #tpu.dot_dimension_numbers<[1], [0], [0], [1], [0, 0, 1, 1], [], []>, transpose_lhs_hint = false} : vector<400x128xf32>, vector<128x512xf32>, vector<400x512xf32> -> vector<400x512xf32>
    %get3A_13 = arith.constant 0 : index
    %get3A_14 = arith.constant 0 : index
    %get3A_15 = vector.load %arg3[%get3A_13, %get3A_14] : memref<1x512xf32, #tpu.memory_space<vmem>>, vector<1x512xf32>
    %add3A_16 = vector.broadcast %get3A_15 : vector<1x512xf32> to vector<400x512xf32>
    %add3A_17 = arith.addf %dot_general3A_12, %add3A_16 : vector<400x512xf32>
    %slice3A = vector.extract_strided_slice %add3A_17 {offsets = [0, 0], sizes = [400, 128], strides = [1, 1]} : vector<400x512xf32> to vector<400x128xf32>
    %logistic3A = arith.negf %slice3A : vector<400x128xf32>
    %logistic3A_18 = math.exp %logistic3A : vector<400x128xf32>
    %logistic3A_19 = arith.constant 1.000000e+00 : f32
    %logistic3A_20 = vector.broadcast %logistic3A_19 : f32 to vector<400x128xf32>
    %logistic3A_21 = arith.addf %logistic3A_20, %logistic3A_18 : vector<400x128xf32>
    %logistic3A_22 = arith.divf %logistic3A_20, %logistic3A_21 : vector<400x128xf32>
    %slice3A_23 = vector.extract_strided_slice %add3A_17 {offsets = [0, 256], sizes = [400, 128], strides = [1, 1]} : vector<400x512xf32> to vector<400x128xf32>
    %tanh3A = math.tanh %slice3A_23 : vector<400x128xf32>
    %slice3A_24 = vector.extract_strided_slice %add3A_17 {offsets = [0, 384], sizes = [400, 128], strides = [1, 1]} : vector<400x512xf32> to vector<400x128xf32>
    %logistic3A_25 = arith.negf %slice3A_24 : vector<400x128xf32>
    %logistic3A_26 = math.exp %logistic3A_25 : vector<400x128xf32>
    %logistic3A_27 = arith.constant 1.000000e+00 : f32
    %logistic3A_28 = vector.broadcast %logistic3A_27 : f32 to vector<400x128xf32>
    %logistic3A_29 = arith.addf %logistic3A_28, %logistic3A_26 : vector<400x128xf32>
    %logistic3A_30 = arith.divf %logistic3A_28, %logistic3A_29 : vector<400x128xf32>
    %mul3A = arith.mulf %logistic3A_22, %tanh3A : vector<400x128xf32>
    %tanh3A_31 = math.tanh %mul3A : vector<400x128xf32>
    %mul3A_32 = arith.mulf %logistic3A_30, %tanh3A_31 : vector<400x128xf32>
    %max3A = arith.constant 0.000000e+00 : f32
    %max3A_33 = vector.broadcast %max3A : f32 to vector<400x128xf32>
    %max3A_34 = arith.maximumf %mul3A_32, %max3A_33 : vector<400x128xf32>
    %swap3A = arith.constant 0 : index
    %swap3A_35 = arith.constant 0 : index
    %swap3A_36 = vector.load %arg4[%swap3A, %swap3A_35] : memref<400x128xf32, #tpu.memory_space<vmem>>, vector<400x128xf32>
    tpu.vector_store %arg4[%swap3A, %swap3A_35], %max3A_34 {strides = array<i32>} : memref<400x128xf32, #tpu.memory_space<vmem>>, vector<400x128xf32>,
    return
  }
  func.func @transform_0(%arg0: i32) -> (i32, i32, i32) {
    %c0_i32 = arith.constant 0 : i32
    %c0_i32_0 = arith.constant 0 : i32
    %c0_i32_1 = arith.constant 0 : i32
    return %c0_i32, %arg0, %c0_i32_0 : i32, i32, i32
  }
  func.func @transform_1(%arg0: i32) -> (i32, i32) {
    %c0_i32 = arith.constant 0 : i32
    %c0_i32_0 = arith.constant 0 : i32
    %c0_i32_1 = arith.constant 0 : i32
    return %c0_i32, %c0_i32_0 : i32, i32
  }
  func.func @transform_2(%arg0: i32) -> (i32, i32) {
    %c0_i32 = arith.constant 0 : i32
    %c0_i32_0 = arith.constant 0 : i32
    %c0_i32_1 = arith.constant 0 : i32
    return %c0_i32, %c0_i32_0 : i32, i32
  }
  func.func @transform_3(%arg0: i32) -> (i32, i32) {
    %c0_i32 = arith.constant 0 : i32
    %c0_i32_0 = arith.constant 0 : i32
    return %arg0, %c0_i32 : i32, i32
  }
}

</mosaic_0001>

<sc_bundles>
// kernel: kernel.4.cloned.1.call-start
scs
__scs_entry_jumppad:
0x0: {  	(pc) =	sbr.rel $0x88, $3  }
0x1: {  	(tag) =	ssettag $0x0;
	lr =	simm.s32 $0x1  }
0x2: {  	[smem:$0x3F9C] =	sst lr;
	_ =	strace $0xD0000000  }
0x3: {  	_ = 	snop  }
0x4: {  	_ = 	snop  }
0x5: {  	_ = 	snop  }
0x6: {  	_ = 	snop  }
0x7: {  	_ = 	snop  }
__scs_overlays_trampoline_lowered:
0x8: {  	[smem:$0x3FAB] =	sst s0  }
0x9: {  	[smem:$0x3FAC] =	sst s1  }
0xa: {  	[smem:$0x3FAD] =	sst s2  }
0xb: {  	[smem:$0x3FAE] =	sst s3  }
0xc: {  	[smem:$0x3FAF] =	sst s4  }
0xd: {  	[smem:$0x3FB0] =	sst s5  }
0xe: {  	[smem:$0x3FB1] =	sst s6  }
0xf: {  	[smem:$0x3FB2] =	sst s7  }
0x10: {  	[smem:$0x3FB3] =	sst s8  }
0x11: {  	[smem:$0x3FB4] =	sst s9;
	s0 =	simm.s32 @!p0 $0x0  }
0x12: {  	s1 =	sld [smem:$0x3F9A];
	s0 =	simm.s32 @p0 $0x1  }
0x13: {  	[smem:$0x3FB5] =	sst s0;
	s0 =	simm.s32 @!p1 $0x0  }
0x14: {  	s2 =	sld [smem:$0x3F99];
	s0 =	simm.s32 @p1 $0x1  }
0x15: {  	[smem:$0x3FB6] =	sst s0;
	s0 =	simm.s32 @!p2 $0x0  }
0x16: {  	s3 =	sld [smem:$0x3FDB];
	s0 =	simm.s32 @p2 $0x1  }
0x17: {  	s4 =	simm.s32 $0x1BF5;
	[smem:$0x3FB8] =	sst s0  }
0x18: {  	s0 =	sld [smem:$0x3F9B];
	_ =	swait.ge [sflag:s4], $0x0  }
0x19: {  	s7 =	sld [smem:$0x3F9C]  }
0x1a: {  	s8 =	sadd.s32 $0xFFFFE003, lr  }
0x1b: {  	s9 =	sadd.s32 $0xFFFFFEF7, lr;
	s5 =	simm.s32 $0xFFFFFFFF;
	p2 =	slt.u32 s8, $0xFFFFF086  }
0x1c: {  	p1 =	slt.u32 s9, $0xF7A;
	s5 =	simm.s32 @!p2 $0x0  }
0x1d: {  	s5 =	simm.s32 @p1 $0x1;
	p0 =	seq.s32 s7, s2  }
0x1e: {  	s7 =	smul.u32 @!p0 $0xF7A, s2;
	p2 =	seq.s32 @!p0 s5, $0x0  }
0x1f: {  	s9 =	smul.u32 $0xF7A, s1;
	s8 =	simm.s32 @!p0 $0x1BF5;
	p2 =	por !p2, p0  }
0x20: {  	[sflag:s8] =	ssyncset.s32 @!p0 $0xFFFFF086;
	s6 =	sadd.s32 @!p0 s3, s7;
	s7 =	simm.s32 @!p0 $0x108  }
0x21: {  	s3 =	sadd.s32 s3, s9;
	s6 =	sadd.s32 @!p0 $0x88, s6;
	s7 =	simm.s32 @p2 $0x1082  }
0x22: {  	[simem:s7], [sflag:s8] =	dma.local @!p0 [hbm:s6], $0xF7A  }
0x23: {  	s9 =	sor.u32 $0xD0000000, s2;
	s6 =	simm.s32 $0x108;
	_ =	swait.ge @!p0 [sflag:s8], $0x0  }
0x24: {  	s3 =	sadd.s32 $0x88, s3;
	s6 =	simm.s32 @!p1 $0x1082;
	[sflag:s4] =	ssyncset.s32 $0xFFFFF086  }
0x25: {  	[simem:s6], [sflag:s4] =	dma.local [hbm:s3], $0xF7A  }
0x26: {  	[smem:$0x3F9C] =	sst s1;
	(tag) =	ssettag s2;
	_ =	strace s9  }
0x27: {  	s1 =	sld [smem:$0x3FAC]  }
0x28: {  	s2 =	sld [smem:$0x3FAD]  }
0x29: {  	s4 =	sld [smem:$0x3FAF]  }
0x2a: {  	p0 =	seq.s32 s5, $0x0;
	s5 =	sld [smem:$0x3FB0]  }
0x2b: {  	s6 =	sld [smem:$0x3FB1]  }
0x2c: {  	s7 =	sld [smem:$0x3FB2]  }
0x2d: {  	s3 =	simm.s32 $0x108;
	s8 =	sld [smem:$0x3FB3]  }
0x2e: {  	s3 =	simm.s32 @!p0 $0x1082;
	s9 =	sld [smem:$0x3FB4]  }
0x2f: {  	lr =	sadd.s32 s0, s3;
	s0 =	sld [smem:$0x3FAB]  }
0x30: {  	s3 =	sld [smem:$0x3FAE]  }
0x31: {  	[smem:$0x3FB7] =	sst s10  }
0x32: {  	s10 =	sld [smem:$0x3FB5];
	_ =	sdelay $0x3  }
0x33: {  	p0 =	seq.s32 s10, $0x1;
	s10 =	sld [smem:$0x3FB7];
	_ =	sdelay $0x3  }
0x34: {  	[smem:$0x3FB7] =	sst s10  }
0x35: {  	s10 =	sld [smem:$0x3FB6];
	_ =	sdelay $0x3  }
0x36: {  	p1 =	seq.s32 s10, $0x1;
	s10 =	sld [smem:$0x3FB7];
	_ =	sdelay $0x3  }
0x37: {  	[smem:$0x3FB7] =	sst s10  }
0x38: {  	s10 =	sld [smem:$0x3FB8]  }
0x39: {  	_ = 	snop;
	(pc) =	sbr.ind lr, $3  }
0x3a: {  	_ = 	snop  }
0x3b: {  	_ = 	snop  }
0x3c: {  	p2 =	seq.s32 s10, $0x1;
	s10 =	sld [smem:$0x3FB7]  }
0x3d: {  	_ =	shalt  }
0x3e: {  	_ =	shalt  }
0x3f: {  	_ =	shalt  }
0x40: {  	_ =	shalt  }
0x41: {  	_ =	shalt  }
0x42: {  	_ =	shalt  }
0x43: {  	_ =	shalt  }
0x44: {  	_ =	shalt  }
0x45: {  	_ =	shalt  }
0x46: {  	_ =	shalt  }
0x47: {  	_ =	shalt  }
0x48: {  	_ =	shalt  }
0x49: {  	_ =	shalt  }
0x4a: {  	_ =	shalt  }
0x4b: {  	_ =	shalt  }
0x4c: {  	_ =	shalt  }
0x4d: {  	_ =	shalt  }
0x4e: {  	_ =	shalt  }
0x4f: {  	_ =	shalt  }
0x50: {  	_ =	shalt  }
0x51: {  	_ =	shalt  }
0x52: {  	_ =	shalt  }
0x53: {  	_ =	shalt  }
0x54: {  	_ =	shalt  }
0x55: {  	_ =	shalt  }
0x56: {  	_ =	shalt  }
0x57: {  	_ =	shalt  }
0x58: {  	_ =	shalt  }
0x59: {  	_ =	shalt  }
0x5a: {  	_ =	shalt  }
0x5b: {  	_ =	shalt  }
0x5c: {  	_ =	shalt  }
0x5d: {  	_ =	shalt  }
0x5e: {  	_ =	shalt  }
0x5f: {  	_ =	shalt  }
0x60: {  	_ =	shalt  }
0x61: {  	_ =	shalt  }
0x62: {  	_ =	shalt  }
0x63: {  	_ =	shalt  }
0x64: {  	_ =	shalt  }
0x65: {  	_ =	shalt  }
0x66: {  	_ =	shalt  }
0x67: {  	_ =	shalt  }
0x68: {  	_ =	shalt  }
0x69: {  	_ =	shalt  }
0x6a: {  	_ =	shalt  }
0x6b: {  	_ =	shalt  }
0x6c: {  	_ =	shalt  }
0x6d: {  	_ =	shalt  }
0x6e: {  	_ =	shalt  }
0x6f: {  	_ =	shalt  }
0x70: {  	_ =	shalt  }
0x71: {  	_ =	shalt  }
0x72: {  	_ =	shalt  }
0x73: {  	_ =	shalt  }
0x74: {  	_ =	shalt  }
0x75: {  	_ =	shalt  }
0x76: {  	_ =	shalt  }
0x77: {  	_ =	shalt  }
0x78: {  	_ =	shalt  }
0x79: {  	_ =	shalt  }
0x7a: {  	_ =	shalt  }
0x7b: {  	_ =	shalt  }
0x7c: {  	_ =	shalt  }
0x7d: {  	_ =	shalt  }
0x7e: {  	_ =	shalt  }
0x7f: {  	_ =	shalt  }
0x80: {  	_ =	shalt  }
0x81: {  	_ =	shalt  }
0x82: {  	_ =	shalt  }
0x83: {  	_ =	shalt  }
0x84: {  	_ =	shalt  }
0x85: {  	_ =	shalt  }
0x86: {  	_ =	shalt  }
0x87: {  	_ =	shalt  }
.Lfunc_end0:
.L_simem_size_0:
called_computation_lowered:
.L_overlay_start_0:
0x88: {  	s2 =	sld [smem:$0x3FD9]  }
0x89: {  	s3 =	sld [smem:$0x3FFE];
	_ =	sdelay $0x1  }
0x8a: {  	s1 =	srdreg.scid  }
0x8b: {  	s0 =	sand.u32 $0x1, s1  }
0x8c: {  	s17 =	sshll.u32 s0, $0xA;
	s2 =	sadd.s32 s3, s2  }
0x8d: {  	s2 =	sadd.s32 s2, s17  }
0x8e: {  	[smem:$0x3FC3] =	sst s2  }
0x8f: {  	_ = 	snop  }
0x90: {  	s2 =	sld [smem:$0x3FC9]  }
0x91: {  	s18 =	sld [smem:$0x3FD0];
	(tm) =	ssettm $0x1  }
0x92: {  	s4 =	sld [smem:$0x3FFB];
	_ =	sdelay $0x3  }
0x93: {  	_ =	strace s4  }
0x94: {  	s4 =	sld [smem:$0x3FFC];
	_ =	sdelay $0x3  }
0x95: {  	_ =	strace s4  }
0x96: {  	s4 =	sld [smem:$0x3FFD];
	_ =	sdelay $0x3  }
0x97: {  	_ =	strace s4  }
0x98: {  	_ =	strace $0x8FFFFFFF  }
0x99: {  	s19 =	sld [smem:$0x3FDB];
	_ =	sdelay $0x1  }
0x9a: {  	s5 =	simm.s32 $_scs_section_size  }
0x9b: {  	s6 =	simm.s32 $_size__tile_overlayer_lowered;
	s7 =	simm.s32 $_tile_overlayer_lowered  }
0x9c: {  	s22 =	simm.s32 $0x1BFF;
	s21 =	sshll.u32 s7, $0x1;
	s4 =	sadd.s32 s5, s19  }
0x9d: {  	s8 =	simm.s32 $0x0;
	s20 =	sshll.u32 s6, $0x1;
	s6 =	sadd.s32 s21, s4  }
0x9e: {  	[timem:s8], [sflag:s22] =	dma.local [hbm:s6], s20  }
0x9f: {  	_ =	swait.ge [sflag:s22], s20  }
0xa0: {  	s5 =	ssub.s32 $0x0, s20;
	[sflag:s22] =	ssyncset.done $0x0  }
0xa1: {  	[sflag:s22] =	ssyncadd.s32 s5;
	_ =	sdelay $0x1  }
0xa2: {  	s23 =	simm.s32 $0x1B8B  }
0xa3: {  	_ =	swait.ge [sflag:s23], $0x1  }
0xa4: {  	[sflag:s23] =	ssyncset.done $0x0  }
0xa5: {  	s25 =	simm.s32 $0x1B8E;
	s24 =	sld [smem:$0x3FFE];
	[sflag:s23] =	ssyncadd.s32 $0xFFFFFFFF  }
0xa6: {  	s26 =	simm.s32 $execute0_lowered;
	[smem:$0x3FD2] =	sst s25  }
0xa7: {  	s6 =	sshll.u32 s26, $0x1;
	_ =	strace $0x80000046;
	[dreg:$0x1] =	wrdreg $0xFFFFFFFF  }
0xa8: {  	s28 =	simm.s32 $_size_execute0_lowered;
	s4 =	sadd.s32 s4, s6;
	[dreg:$0x0] =	wrdreg $0x0  }
0xa9: {  	s6 =	sshll.u32 s28, $0x1;
	[dreg:$0x2] =	wrdreg s4  }
0xaa: {  	[dreg:$0x3] =	wrdreg s6  }
0xab: {  	[dreg:$0x4] =	wrdreg $0xC0  }
0xac: {  	_ =	task [dreg:s8], $0x5FFFF  }
0xad: {  	[dreg:$0x1] =	wrdreg $0xFFFFFFFF  }
0xae: {  	[dreg:$0x0] =	wrdreg $0x60  }
0xaf: {  	[dreg:$0x2] =	wrdreg s2  }
0xb0: {  	[dreg:$0x3] =	wrdreg s18  }
0xb1: {  	[dreg:$0x4] =	wrdreg s24  }
0xb2: {  	[dreg:$0x5] =	wrdreg $0x90000  }
0xb3: {  	[dreg:$0x6] =	wrdreg $0x9  }
0xb4: {  	_ =	task.clear_ibuf [dreg:s8], $0x7FFFF;
	_ =	strace $0x90000046  }
0xb5: {  	s29 =	simm.s32 $0x9;
	_ =	strace $0x80000048  }
0xb6: {  	_ =	swait.ge [sflag:s29], $0x1  }
0xb7: {  	[sflag:s29] =	ssyncadd.s32 $0xFFFFFFFF  }
0xb8: {  	_ =	strace $0x90000048  }
0xb9: {  	_ =	sfence  }
0xba: {  	s30 =	sld [smem:$0x0];
	_ =	sdelay $0x2  }
0xbb: {  	s31 =	sshll.u32 s1, $0xD;
	s1 =	sshrl.u32 s1, $0x2  }
0xbc: {  	s3 =	sand.u32 $0x4000, s31;
	s1 =	sadd.s32 s1, s30  }
0xbd: {  	s0 =	sor.u32 s3, s0;
	s1 =	sshll.u32 s1, $0x11  }
0xbe: {  	s0 =	sor.u32 s1, s0  }
0xbf: {  	s0 =	sadd.s32 $0x8F2B, s0  }
0xc0: {  	[sflag:s0] =	ssyncadd.remote.s32 $0x1  }
0xc1: {  	_ =	sfence.sel $0xFFFF  }
0xc2: {  	[dreg:$0x0] =	wrdreg $0xFFFFFFFF;
	(pc) =	sbr.abs _section_cstart, $3  }
0xc3: {  	[dreg:$0x1] =	wrdreg $0xFFFFFFFF  }
0xc4: {  	_ =	task.clear_ibuf [dreg:s8], $0x2FFFF;
	_ =	strace $0x9FFFFFFF  }
0xc5: {  	(tm) =	ssettm $0x7FFFFFFF  }
tec
execute0_lowered:
.L_overlay_start_1:
0x0: {  	(tag) =	ssettag $0x1  }
0x1: {  	s1 =	rddreg [dreg:$0x0]  }
0x2: {  	s11 =	rddreg [dreg:$0x1]  }
0x3: {  	s5 =	rddreg [dreg:$0x2]  }
0x4: {  	s3 =	rddreg [dreg:$0x3]  }
0x5: {  	s0 =	rddreg [dreg:$0x4]  }
0x6: {  	s2 =	stileid.u32;
	s6 =	srdreg.scid;
	s4 =	simm.s32 $0x0  }
0x7: {  	s15 =	simm.s32 $0x2800;
	s16 =	simm.s32 $0x40;
	s17 =	simm.s32 $0x5000  }
0x8: {  	s18 =	simm.s32 $0x80;
	s19 =	simm.s32 $0x7000;
	s20 =	simm.s32 $0x1  }
0x9: {  	s21 =	simm.s32 $0x2;
	s22 =	simm.s32 $0x3;
	s23 =	simm.s32 $0x4  }
0xa: {  	s24 =	simm.s32 $0x4F00;
	s7 =	smul.u32 $0x13C00, s2;
	s6 =	sand.u32 $0x1, s6  }
0xb: {  	[smem:$0x7FF] =	sst s4;
	s12 =	sadd.s32 $0x400, s5;
	s10 =	smul.u32 $0x4F000, s2  }
0xc: {  	s30 =	sshll.u32 s2, $0x6;
	s8 =	smul.u32 $0x13C000, s6;
	_ =	strace $0x80000047  }
0xd: {  	s25 =	sshll.u32 s6, $0x4;
	s26 =	ssub.s32 $0x2, s6;
	s6 =	sor.u32 $0x1C05, s30  }
0xe: {  	s9 =	sshrl.u32 s7, $0x3;
	s28 =	sor.u32 s2, s25;
	s29 =	sshrl.u32 s26, $0x1  }
0xf: {  	s10 =	sshrl.u32 s10, $0x2;
	s25 =	simm.s32 $0x4F80;
	s9 =	sadd.s32 s9, s5  }
0x10: {  	s7 =	sadd.s32 s7, s8;
	s13 =	smul.u32 $0x5000, s28;
	s8 =	ssub.s32 s26, s29  }
0x11: {  	s14 =	sadd.s32 s10, s3;
	s26 =	simm.s32 $0x0;
	s7 =	sshrl.u32 s7, $0x3  }
0x12: {  	s8 =	smax.u32 s8, $0x1;
	s7 =	sadd.s32 s7, s5;
	s31 =	sshrl.u32 s13, $0x3  }
0x13: {  	s5 =	sadd.s32 $0x14400, s9;
	s7 =	sadd.s32 $0x3BC00, s7;
	s13 =	sadd.s32 $0x500, s31  }
0x14: {  	s9 =	sadd.s32 s11, s31;
	s10 =	sadd.s32 s12, s31;
	s11 =	sadd.s32 s11, s13  }
0x15: {  	s12 =	sadd.s32 s12, s13;
	s13 =	sshrl.u32 s14, $0x3;
	s14 =	simm.s32 $0x5  }
.LBB2_1:
0x16: {  	[spmem:s13], [sflag:s6] =	dma.local [hbm:s5], $0x2780  }
0x17: {  	_ =	swait.ge [sflag:s14], $0x2780  }
0x18: {  	[sflag:s14] =	ssyncset.done $0x0  }
0x19: {  	[sflag:s14] =	ssyncadd.s32 $0xFFFFD880  }
0x1a: {  	[bflag:$0x0] =	sbarrier.arrive $0xFFFF  }
0x1b: {  	[tilespmem:s4], [sflag:$0x5] =	stream.linear.gather [hbm4b:s9+s4], $0x2800, $0x38;
	[tilespmem:$0x1CC00] =	vst v63  }
0x1c: {  	_ =	swait.ge [sflag:s14], $0x2800  }
0x1d: {  	[sflag:s14] =	ssyncset.done $0x0  }
0x1e: {  	[sflag:s14] =	ssyncadd.s32 $0xFFFFD800  }
0x1f: {  	[tilespmem:s15], [sflag:$0x5] =	stream.linear.gather [hbm4b:s10+s4], $0x2800, $0x38;
	[tilespmem:$0x1CC00] =	vst v63  }
0x20: {  	_ =	swait.ge [sflag:s14], $0x2800  }
0x21: {  	[sflag:s14] =	ssyncset.done $0x0  }
0x22: {  	[sflag:s14] =	ssyncadd.s32 $0xFFFFD800  }
0x23: {  	[tilespmem:s17], [sflag:$0x1] =	stream.indirect.gather [hbm4b:s1+s16], $0x80, s4, s16, $0xb8;
	[tilespmem:$0x1CC00] =	vst v63  }
0x24: {  	_ = 	snop  }
0x25: {  	[tilespmem:s19], [sflag:$0x2] =	stream.indirect.gather [hbm4b:s1+s16], $0x80, s18, s16, $0xb8;
	[tilespmem:$0x1CC00] =	vst v63  }
0x26: {  	_ =	swait.ge [sflag:s20], $0x2000  }
0x27: {  	[sflag:s20] =	ssyncset.done $0x0  }
0x28: {  	s28 =	simm.s32 $0x2800;
	[sflag:s20] =	ssyncadd.s32 $0xFFFFE000  }
0x29: {  	[spmem:s3] =	stream.indirect.scatter.add.f32 [tilespmem:s17], [sflag:$0x3], $0x80, s28, s16, $0xb8;
	[tilespmem:$0x1CC00] =	vst v63  }
0x2a: {  	_ =	swait.ge [sflag:s21], $0x2000  }
0x2b: {  	[sflag:s21] =	ssyncset.done $0x0  }
0x2c: {  	s28 =	simm.s32 $0x2880;
	[sflag:s21] =	ssyncadd.s32 $0xFFFFE000  }
0x2d: {  	[spmem:s3] =	stream.indirect.scatter.add.f32 [tilespmem:s19], [sflag:$0x4], $0x80, s28, s16, $0xb8;
	[tilespmem:$0x1CC00] =	vst v63  }
0x2e: {  	_ =	swait.ge [sflag:s22], $0x2000  }
0x2f: {  	[sflag:s22] =	ssyncset.done $0x0  }
0x30: {  	s28 =	simm.s32 $0x100;
	[sflag:s22] =	ssyncadd.s32 $0xFFFFE000  }
0x31: {  	[tilespmem:s17], [sflag:$0x1] =	stream.indirect.gather [hbm4b:s1+s16], $0x80, s28, s16, $0xb8;
	[tilespmem:$0x1CC00] =	vst v63  }
0x32: {  	_ =	swait.ge [sflag:s23], $0x2000  }
0x33: {  	[sflag:s23] =	ssyncset.done $0x0  }
0x34: {  	s29 =	simm.s32 $0x180;
	s28 =	simm.s32 $0x800;
	[sflag:s23] =	ssyncadd.s32 $0xFFFFE000  }
.LBB2_2:
0x35: {  	[tilespmem:s19], [sflag:$0x2] =	stream.indirect.gather [hbm4b:s1+s16], $0x80, s29, s16, $0xb8;
	[tilespmem:$0x1CC00] =	vst v63  }
0x36: {  	s29 =	smov.u32 s28  }
0x37: {  	p0 =	sne.s32 s28, $0x9C00;
	s28 =	sadd.s32 $0x400, s28;
	_ =	swait.ge [sflag:s20], $0x2000  }
0x38: {  	s29 =	sshra.s32 s29, $0x2;
	[sflag:s20] =	ssyncset.done $0x0  }
0x39: {  	s30 =	sadd.s32 $0x2700, s29;
	[sflag:s20] =	ssyncadd.s32 $0xFFFFE000  }
0x3a: {  	[spmem:s3] =	stream.indirect.scatter.add.f32 [tilespmem:s17], [sflag:$0x3], $0x80, s30, s16, $0xb8;
	[tilespmem:$0x1CC00] =	vst v63  }
0x3b: {  	_ =	swait.ge [sflag:s21], $0x2000  }
0x3c: {  	[sflag:s21] =	ssyncset.done $0x0  }
0x3d: {  	s30 =	sadd.s32 $0x2780, s29;
	[sflag:s21] =	ssyncadd.s32 $0xFFFFE000  }
0x3e: {  	[spmem:s3] =	stream.indirect.scatter.add.f32 [tilespmem:s19], [sflag:$0x4], $0x80, s30, s16, $0xb8;
	[tilespmem:$0x1CC00] =	vst v63  }
0x3f: {  	_ =	swait.ge [sflag:s22], $0x2000  }
0x40: {  	[sflag:s22] =	ssyncset.done $0x0  }
.Ltmp0:
0x41: {  	[sflag:s22] =	ssyncadd.s32 $0xFFFFE000;
	(pc) =	sbr.rel @p0 .LBB2_2-.Ltmp0, $4  }
0x42: {  	[tilespmem:s17], [sflag:$0x1] =	stream.indirect.gather [hbm4b:s1+s16], $0x80, s29, s16, $0xb8;
	[tilespmem:$0x1CC00] =	vst v63  }
0x43: {  	_ =	swait.ge [sflag:s23], $0x2000  }
0x44: {  	[sflag:s23] =	ssyncset.done $0x0  }
0x45: {  	s29 =	sadd.s32 $0x80, s29;
	[sflag:s23] =	ssyncadd.s32 $0xFFFFE000  }
0x46: {  	[tilespmem:s19], [sflag:$0x2] =	stream.indirect.gather [hbm4b:s1+s16], $0x80, s29, s16, $0xb8;
	[tilespmem:$0x1CC00] =	vst v63  }
0x47: {  	_ =	swait.ge [sflag:s20], $0x2000  }
0x48: {  	[sflag:s20] =	ssyncset.done $0x0  }
0x49: {  	[sflag:s20] =	ssyncadd.s32 $0xFFFFE000  }
0x4a: {  	[spmem:s3] =	stream.indirect.scatter.add.f32 [tilespmem:s17], [sflag:$0x3], $0x80, s24, s16, $0xb8;
	[tilespmem:$0x1CC00] =	vst v63  }
0x4b: {  	_ =	swait.ge [sflag:s21], $0x2000  }
0x4c: {  	[sflag:s21] =	ssyncset.done $0x0  }
0x4d: {  	[sflag:s21] =	ssyncadd.s32 $0xFFFFE000  }
0x4e: {  	[spmem:s3] =	stream.indirect.scatter.add.f32 [tilespmem:s19], [sflag:$0x4], $0x80, s25, s16, $0xb8;
	[tilespmem:$0x1CC00] =	vst v63  }
0x4f: {  	_ =	swait.ge [sflag:s22], $0x2000  }
0x50: {  	[sflag:s22] =	ssyncset.done $0x0  }
0x51: {  	[sflag:s22] =	ssyncadd.s32 $0xFFFFE000  }
0x52: {  	_ =	swait.ge [sflag:s23], $0x2000  }
0x53: {  	[sflag:s23] =	ssyncset.done $0x0  }
0x54: {  	[sflag:s23] =	ssyncadd.s32 $0xFFFFE000  }
0x55: {  	[tilespmem:s4], [sflag:$0x5] =	stream.linear.gather [hbm4b:s11+s4], $0x2800, $0x38;
	[tilespmem:$0x1CC00] =	vst v63  }
0x56: {  	_ =	swait.ge [sflag:s14], $0x2800  }
0x57: {  	[sflag:s14] =	ssyncset.done $0x0  }
0x58: {  	[sflag:s14] =	ssyncadd.s32 $0xFFFFD800  }
0x59: {  	[tilespmem:s15], [sflag:$0x5] =	stream.linear.gather [hbm4b:s12+s4], $0x2800, $0x38;
	[tilespmem:$0x1CC00] =	vst v63  }
0x5a: {  	_ =	swait.ge [sflag:s14], $0x2800  }
0x5b: {  	[sflag:s14] =	ssyncset.done $0x0  }
0x5c: {  	[sflag:s14] =	ssyncadd.s32 $0xFFFFD800  }
0x5d: {  	[tilespmem:s17], [sflag:$0x1] =	stream.indirect.gather [hbm4b:s1+s16], $0x80, s4, s16, $0xb8;
	[tilespmem:$0x1CC00] =	vst v63  }
0x5e: {  	_ = 	snop  }
0x5f: {  	[tilespmem:s19], [sflag:$0x2] =	stream.indirect.gather [hbm4b:s1+s16], $0x80, s18, s16, $0xb8;
	[tilespmem:$0x1CC00] =	vst v63  }
0x60: {  	_ =	swait.ge [sflag:s20], $0x2000  }
0x61: {  	[sflag:s20] =	ssyncset.done $0x0  }
0x62: {  	s28 =	simm.s32 $0x2800;
	[sflag:s20] =	ssyncadd.s32 $0xFFFFE000  }
0x63: {  	[spmem:s3] =	stream.indirect.scatter.add.f32 [tilespmem:s17], [sflag:$0x3], $0x80, s28, s16, $0xb8;
	[tilespmem:$0x1CC00] =	vst v63  }
0x64: {  	_ =	swait.ge [sflag:s21], $0x2000  }
0x65: {  	[sflag:s21] =	ssyncset.done $0x0  }
0x66: {  	s28 =	simm.s32 $0x2880;
	[sflag:s21] =	ssyncadd.s32 $0xFFFFE000  }
0x67: {  	[spmem:s3] =	stream.indirect.scatter.add.f32 [tilespmem:s19], [sflag:$0x4], $0x80, s28, s16, $0xb8;
	[tilespmem:$0x1CC00] =	vst v63  }
0x68: {  	_ =	swait.ge [sflag:s22], $0x2000  }
0x69: {  	[sflag:s22] =	ssyncset.done $0x0  }
0x6a: {  	s28 =	simm.s32 $0x100;
	[sflag:s22] =	ssyncadd.s32 $0xFFFFE000  }
0x6b: {  	[tilespmem:s17], [sflag:$0x1] =	stream.indirect.gather [hbm4b:s1+s16], $0x80, s28, s16, $0xb8;
	[tilespmem:$0x1CC00] =	vst v63  }
0x6c: {  	_ =	swait.ge [sflag:s23], $0x2000  }
0x6d: {  	[sflag:s23] =	ssyncset.done $0x0  }
0x6e: {  	s29 =	simm.s32 $0x180;
	s28 =	simm.s32 $0x800;
	[sflag:s23] =	ssyncadd.s32 $0xFFFFE000  }
.LBB2_4:
0x6f: {  	[tilespmem:s19], [sflag:$0x2] =	stream.indirect.gather [hbm4b:s1+s16], $0x80, s29, s16, $0xb8;
	[tilespmem:$0x1CC00] =	vst v63  }
0x70: {  	s29 =	smov.u32 s28  }
0x71: {  	p0 =	sne.s32 s28, $0x9C00;
	s28 =	sadd.s32 $0x400, s28;
	_ =	swait.ge [sflag:s20], $0x2000  }
0x72: {  	s29 =	sshra.s32 s29, $0x2;
	[sflag:s20] =	ssyncset.done $0x0  }
0x73: {  	s30 =	sadd.s32 $0x2700, s29;
	[sflag:s20] =	ssyncadd.s32 $0xFFFFE000  }
0x74: {  	[spmem:s3] =	stream.indirect.scatter.add.f32 [tilespmem:s17], [sflag:$0x3], $0x80, s30, s16, $0xb8;
	[tilespmem:$0x1CC00] =	vst v63  }
0x75: {  	_ =	swait.ge [sflag:s21], $0x2000  }
0x76: {  	[sflag:s21] =	ssyncset.done $0x0  }
0x77: {  	s30 =	sadd.s32 $0x2780, s29;
	[sflag:s21] =	ssyncadd.s32 $0xFFFFE000  }
0x78: {  	[spmem:s3] =	stream.indirect.scatter.add.f32 [tilespmem:s19], [sflag:$0x4], $0x80, s30, s16, $0xb8;
	[tilespmem:$0x1CC00] =	vst v63  }
0x79: {  	_ =	swait.ge [sflag:s22], $0x2000  }
0x7a: {  	[sflag:s22] =	ssyncset.done $0x0  }
.Ltmp1:
0x7b: {  	[sflag:s22] =	ssyncadd.s32 $0xFFFFE000;
	(pc) =	sbr.rel @p0 .LBB2_4-.Ltmp1, $4  }
0x7c: {  	[tilespmem:s17], [sflag:$0x1] =	stream.indirect.gather [hbm4b:s1+s16], $0x80, s29, s16, $0xb8;
	[tilespmem:$0x1CC00] =	vst v63  }
0x7d: {  	_ =	swait.ge [sflag:s23], $0x2000  }
0x7e: {  	[sflag:s23] =	ssyncset.done $0x0  }
0x7f: {  	s29 =	sadd.s32 $0x80, s29;
	[sflag:s23] =	ssyncadd.s32 $0xFFFFE000  }
0x80: {  	[tilespmem:s19], [sflag:$0x2] =	stream.indirect.gather [hbm4b:s1+s16], $0x80, s29, s16, $0xb8;
	[tilespmem:$0x1CC00] =	vst v63  }
0x81: {  	_ =	swait.ge [sflag:s20], $0x2000  }
0x82: {  	[sflag:s20] =	ssyncset.done $0x0  }
0x83: {  	[sflag:s20] =	ssyncadd.s32 $0xFFFFE000  }
0x84: {  	[spmem:s3] =	stream.indirect.scatter.add.f32 [tilespmem:s17], [sflag:$0x3], $0x80, s24, s16, $0xb8;
	[tilespmem:$0x1CC00] =	vst v63  }
0x85: {  	_ =	swait.ge [sflag:s21], $0x2000  }
0x86: {  	[sflag:s21] =	ssyncset.done $0x0  }
0x87: {  	[sflag:s21] =	ssyncadd.s32 $0xFFFFE000  }
0x88: {  	[spmem:s3] =	stream.indirect.scatter.add.f32 [tilespmem:s19], [sflag:$0x4], $0x80, s25, s16, $0xb8;
	[tilespmem:$0x1CC00] =	vst v63  }
0x89: {  	_ =	swait.ge [sflag:s22], $0x2000  }
0x8a: {  	[sflag:s22] =	ssyncset.done $0x0  }
0x8b: {  	[sflag:s22] =	ssyncadd.s32 $0xFFFFE000  }
0x8c: {  	_ =	swait.ge [sflag:s23], $0x2000  }
0x8d: {  	s26 =	sadd.s32 $0x1, s26;
	[sflag:s23] =	ssyncset.done $0x0  }
0x8e: {  	p0 =	sne.s32 s26, s8;
	[sflag:s23] =	ssyncadd.s32 $0xFFFFE000  }
.Ltmp2:
0x8f: {  	[bflag:$0x0] =	sbarrier.arrive $0xFFFF;
	(pc) =	sbr.rel @p0 .LBB2_1-.Ltmp2, $4  }
0x90: {  	[hbm:s7], [sflag:s6] =	dma.local [spmem:s13], $0x2780  }
0x91: {  	_ =	swait.ge [sflag:s14], $0x2780  }
0x92: {  	[sflag:s14] =	ssyncset.done $0x0  }
0x93: {  	[sflag:s14] =	ssyncadd.s32 $0xFFFFD880  }
0x94: {  	_ =	sfence.sel $0x180000  }
0x95: {  	[bflag:$0x0] =	sbarrier.arrive $0xFFFF  }
0x96: {  	p0 =	sne.s32 s2, $0x0;
	_ =	strace $0x90000047  }
0x97: {  	s0 =	sadd.s32 @!p0 $0x100000, s0;
	[bflag:$0x2] =	sbarrier.arrive $0xFFFF  }
0x98: {  	[sflag:s0] =	ssyncadd.tile.s32 @!p0 $0x1;
	_ =	shalt  }
.Lfunc_end2:
_tile_overlayer_lowered:
.L_overlay_start_2:
0x99: {  	(tag) =	ssettag $0x2  }
0x9a: {  	s0 =	rddreg [dreg:$0x0];
	s2 =	stileid.u32  }
0x9b: {  	s1 =	rddreg [dreg:$0x1];
	p0 =	sne.s32 s2, $0x0  }
0x9c: {  	s3 =	rddreg [dreg:$0x2];
	[bflag:$0x3] =	sbarrier.arrive $0xFFFF;
	s2 =	simm.s32 @!p0 $0x1C05  }
0x9d: {  	[timem:s3], [sflag:s2] =	dma.local @!p0 [hbm:s0], s1  }
0x9e: {  	s0 =	simm.s32 @!p0 $0x5  }
0x9f: {  	_ =	swait.ge @!p0 [sflag:s0], s1  }
0xa0: {  	s1 =	ssub.s32 @!p0 $0x0, s1;
	[sflag:s0] =	ssyncset.done @!p0 $0x0  }
0xa1: {  	[sflag:s0] =	ssyncadd.s32 @!p0 s1  }
0xa2: {  	[bflag:$0x3] =	sbarrier.arrive $0xFFFF  }
0xa3: {  	_ =	shalt  }

</sc_bundles>
